<compile_context>
chip_gen: v7x
topology: tpu7x:2x2x1
jax: 0.10.2.dev20260603
libtpu: 0.0.44.dev20260713+nightly
codegen_flags: <defaults>
</compile_context>

<pallas_src>
import functools

import jax
import jax.numpy as jnp
from jax import lax
from jax.experimental import pallas as pl
from jax.experimental.pallas import tpu as pltpu
from jax.experimental.pallas import tpu_sc as plsc

V = 100000
D = 128
C = 20
CPAD = 24
N = 128
VB = 12800
NBLK = (V + VB - 1) // VB
PADV = NBLK * VB

_sc_mesh = plsc.VectorSubcoreMesh(core_axis_name="c", subcore_axis_name="s")


@functools.partial(
    pl.kernel,
    out_type=jax.ShapeDtypeStruct((CPAD, D), jnp.float32),
    mesh=_sc_mesh,
    scratch_types=[
        pltpu.VMEM((CPAD,), jnp.int32),
        pltpu.VMEM((CPAD, D), jnp.float32),
        pltpu.SemaphoreType.DMA,
    ],
)
def _sc_gather(idx_hbm, table_hbm, out_hbm, idx_v, rows_v, sem):
    wid = lax.axis_index("s") * 2 + lax.axis_index("c")

    @pl.when(wid == 0)
    def _():
        pltpu.sync_copy(idx_hbm, idx_v)
        pltpu.async_copy(table_hbm.at[idx_v], rows_v, sem).wait()
        pltpu.sync_copy(rows_v, out_hbm)


def _fused_kernel(g_ref, w1_ref, b1_ref, w2_ref, b2_ref, out_ref, h_ref):
    i = pl.program_id(0)

    @pl.when(i == 0)
    def _hidden():
        acc = b1_ref[...].astype(jnp.float32)
        for p in range(C):
            acc = acc + lax.dot_general(
                g_ref[pl.ds(p, 1), :],
                w1_ref[:, pl.ds(p * D, D)],
                (((1,), (1,)), ((), ())),
                preferred_element_type=jnp.float32,
            )
        h_ref[...] = jnp.maximum(acc, 0.0)

    lb = lax.dot_general(
        h_ref[...],
        w2_ref[...],
        (((1,), (1,)), ((), ())),
        preferred_element_type=jnp.float32,
    ) + b2_ref[...]

    @pl.when(i < NBLK - 1)
    def _store():
        out_ref[0:1, pl.ds(i * VB, VB)] = lb

    @pl.when(i == NBLK - 1)
    def _store_masked_and_normalize():
        cols = (NBLK - 1) * VB + lax.broadcasted_iota(jnp.int32, (1, VB), 1)
        out_ref[0:1, pl.ds((NBLK - 1) * VB, VB)] = jnp.where(cols < V, lb, -1e30)
        scr = out_ref[...]
        m = jnp.max(scr, axis=1, keepdims=True)
        s = jnp.sum(jnp.exp(scr - m), axis=1, keepdims=True)
        out_ref[...] = scr - (m + jnp.log(s))


def kernel(inputs, emb, W1, b1, W2, b2):
    b1r = b1.reshape(1, N)
    b2r = b2.reshape(1, V)
    idx = jnp.concatenate([inputs, jnp.zeros((CPAD - C,), jnp.int32)])

    g = _sc_gather(idx, emb)

    out = pl.pallas_call(
        _fused_kernel,
        grid=(NBLK,),
        in_specs=[
            pl.BlockSpec((CPAD, D), lambda i: (0, 0)),
            pl.BlockSpec((N, C * D), lambda i: (0, 0)),
            pl.BlockSpec((1, N), lambda i: (0, 0)),
            pl.BlockSpec((VB, D), lambda i: (i, 0)),
            pl.BlockSpec((1, VB), lambda i: (0, i)),
        ],
        out_specs=pl.BlockSpec((1, PADV), lambda i: (0, 0)),
        out_shape=jax.ShapeDtypeStruct((1, PADV), jnp.float32),
        scratch_shapes=[
            pltpu.VMEM((1, N), jnp.float32),
        ],
        compiler_params=pltpu.CompilerParams(
            dimension_semantics=("arbitrary",),
            vmem_limit_bytes=100 * 1024 * 1024,
        ),
    )(g, W1, b1r, W2, b2r)
    return out[:, :V]

# --- scband reference (transcript-rebuilt; emitter-appended) ---
"""Pipeline reference for scband-ngram-language-modeler-1494648619509 (READ-ONLY COPY).

The authoritative reference and input builder live on the scoring server;
editing this copy changes nothing except your own understanding.
"""

import jax, jax.numpy as jnp
import numpy as np

VOCAB = 100000
EMBED_DIM = 128
CONTEXT = 20
NUM_NEURONS = 128

def setup_inputs(seed: int = 0) -> dict:
    key = jax.random.key(seed)
    k_idx, k_emb, k_w1, k_b1, k_w2, k_b2 = jax.random.split(key, 6)
    inputs = jax.random.randint(k_idx, (CONTEXT,), 0, VOCAB, dtype=jnp.int64 if jax.config.jax_enable_x64 else jnp.int32).astype(jnp.int32)
    emb = jax.random.normal(k_emb, (VOCAB, EMBED_DIM), dtype=jnp.float32)
    fan_in1 = CONTEXT * EMBED_DIM
    W1 = jax.random.uniform(k_w1, (NUM_NEURONS, fan_in1), dtype=jnp.float32, minval=-1.0, maxval=1.0) / np.sqrt(fan_in1)
    b1 = jax.random.uniform(k_b1, (NUM_NEURONS,), dtype=jnp.float32, minval=-1.0, maxval=1.0) / np.sqrt(fan_in1)
    W2 = jax.random.uniform(k_w2, (VOCAB, NUM_NEURONS), dtype=jnp.float32, minval=-1.0, maxval=1.0) / np.sqrt(NUM_NEURONS)
    b2 = jax.random.uniform(k_b2, (VOCAB,), dtype=jnp.float32, minval=-1.0, maxval=1.0) / np.sqrt(NUM_NEURONS)
    return {"inputs": inputs, "emb": emb, "W1": W1, "b1": b1, "W2": W2, "b2": b2}

def reference(inputs, emb, W1, b1, W2, b2):
    # embedding lookup (gather) then flatten to a single row, as in view((1, -1))
    embeds = jnp.take(emb, inputs, axis=0).reshape((1, -1))
    h = jax.nn.relu(embeds @ W1.T + b1)
    logits = h @ W2.T + b2
    return jax.nn.log_softmax(logits, axis=1)

if __name__ == "__main__":
    import jax
    _d = setup_inputs()
    print(jax.jit(kernel)(*tuple(_d.values())))

</pallas_src>

<mosaic_0001>
#map = affine_map<(d0, d1) -> (0)>
#map1 = affine_map<(d0, d1) -> (0, 0)>
module attributes {stable_mosaic.version = 14 : i64} {
  func.func @_sc_gather(%arg0: i32, %arg1: i32, %arg2: memref<24xi32, #tpu.memory_space<hbm>>, %arg3: memref<100000x128xf32, #tpu.memory_space<hbm>>, %arg4: memref<24x128xf32, #tpu.memory_space<hbm>>, %arg5: memref<24xi32, #tpu.memory_space<vmem>>, %arg6: memref<24x128xf32, #tpu.memory_space<vmem>>, %arg7: memref<!tpu.dma_semaphore, #tpu.memory_space<semaphore_mem>>) attributes {dimension_semantics = [#tpu.dimension_semantics<core_parallel>, #tpu.dimension_semantics<subcore_parallel>], iteration_bounds = array<i64: 2, 16>, scalar_prefetch = 0 : i64, scratch_operands = 3 : i64, tpu.core_type = #tpu.core_type<sc_vector_subcore>, window_params = [{transform_indices = #map}, {transform_indices = #map1}, {transform_indices = #map1}]} {
    %mul3A = arith.constant 2 : i32
    %mul3A_0 = arith.muli %arg1, %mul3A : i32
    %add3A = arith.addi %mul3A_0, %arg0 : i32
    %eq3A = arith.constant 0 : i32
    %eq3A_1 = arith.cmpi eq, %add3A, %eq3A : i32
    %convert_element_type3A = arith.extui %eq3A_1 : i1 to i32
    %cond3A = arith.constant 0 : i32
    %cond3A_2 = arith.cmpi ne, %convert_element_type3A, %cond3A : i32
    scf.if %cond3A_2 {
      "tpu.region"() ({
        %run_scoped3A = tpu.sem_alloc : memref<!tpu.dma_semaphore, #tpu.memory_space<semaphore_mem>>
        tpu.enqueue_dma source(%arg2 : memref<24xi32, #tpu.memory_space<hbm>>) target(%arg5 : memref<24xi32, #tpu.memory_space<vmem>>) target_semaphore(%run_scoped3A : memref<!tpu.dma_semaphore, #tpu.memory_space<semaphore_mem>>)
        tpu.wait_dma2 semaphore(%run_scoped3A : memref<!tpu.dma_semaphore, #tpu.memory_space<semaphore_mem>>) src(%arg2 : memref<24xi32, #tpu.memory_space<hbm>>) dst(%arg5 : memref<24xi32, #tpu.memory_space<vmem>>)
        tpu.yield
      }) : () -> ()
      %dma_start3A = arith.constant 0 : i32
      %dma_start3A_3 = arith.constant 0 : i32
      %dma_start3A_4 = tpu.memref_slice %arg3[%dma_start3A, %dma_start3A_3] : memref<100000x128xf32, #tpu.memory_space<hbm>> -> memref<100000x128xf32, #tpu.memory_space<hbm>>
      tpu.enqueue_indirect_dma source(%dma_start3A_4 : memref<100000x128xf32, #tpu.memory_space<hbm>>) target(%arg6 : memref<24x128xf32, #tpu.memory_space<vmem>>) offsets(%arg5 : memref<24xi32, #tpu.memory_space<vmem>>) semaphore(%arg7 : memref<!tpu.dma_semaphore, #tpu.memory_space<semaphore_mem>>)
      %dma_wait3A = arith.constant 0 : i32
      %dma_wait3A_5 = arith.constant 0 : i32
      %dma_wait3A_6 = tpu.memref_slice %arg3[%dma_wait3A, %dma_wait3A_5] : memref<100000x128xf32, #tpu.memory_space<hbm>> -> memref<100000x128xf32, #tpu.memory_space<hbm>>
      tpu.wait_indirect_dma semaphore(%arg7 : memref<!tpu.dma_semaphore, #tpu.memory_space<semaphore_mem>>) src(%dma_wait3A_6 : memref<100000x128xf32, #tpu.memory_space<hbm>>) dst(%arg6 : memref<24x128xf32, #tpu.memory_space<vmem>>)
      "tpu.region"() ({
        %run_scoped3A = tpu.sem_alloc : memref<!tpu.dma_semaphore, #tpu.memory_space<semaphore_mem>>
        tpu.enqueue_dma source(%arg6 : memref<24x128xf32, #tpu.memory_space<vmem>>) target(%arg4 : memref<24x128xf32, #tpu.memory_space<hbm>>) target_semaphore(%run_scoped3A : memref<!tpu.dma_semaphore, #tpu.memory_space<semaphore_mem>>)
        tpu.wait_dma2 semaphore(%run_scoped3A : memref<!tpu.dma_semaphore, #tpu.memory_space<semaphore_mem>>) src(%arg6 : memref<24x128xf32, #tpu.memory_space<vmem>>) dst(%arg4 : memref<24x128xf32, #tpu.memory_space<hbm>>)
        tpu.yield
      }) : () -> ()
    } else {
    }
    return
  }
}

module attributes {stable_mosaic.version = 14 : i64} {
  func.func @_fused_kernel(%arg0: i32, %arg1: memref<24x128xf32, #tpu.memory_space<vmem>>, %arg2: memref<128x2560xf32, #tpu.memory_space<vmem>>, %arg3: memref<1x128xf32, #tpu.memory_space<vmem>>, %arg4: memref<12800x128xf32, #tpu.memory_space<vmem>>, %arg5: memref<1x12800xf32, #tpu.memory_space<vmem>>, %arg6: memref<1x102400xf32, #tpu.memory_space<vmem>>, %arg7: memref<1x128xf32, #tpu.memory_space<vmem>>) attributes {dimension_semantics = [#tpu.dimension_semantics<arbitrary>], iteration_bounds = array<i64: 8>, scalar_prefetch = 0 : i64, scratch_operands = 1 : i64, tpu.core_type = #tpu.core_type<tc>, window_params = [{pipeline_mode = #tpu.pipeline_mode<synchronous>, transform_indices = @transform_0, window_bounds = array<i64: 24, 128>}, {pipeline_mode = #tpu.pipeline_mode<synchronous>, transform_indices = @transform_1, window_bounds = array<i64: 128, 2560>}, {pipeline_mode = #tpu.pipeline_mode<synchronous>, transform_indices = @transform_2, window_bounds = array<i64: 1, 128>}, {transform_indices = @transform_3, window_bounds = array<i64: 12800, 128>}, {transform_indices = @transform_4, window_bounds = array<i64: 1, 12800>}, {pipeline_mode = #tpu.pipeline_mode<synchronous>, transform_indices = @transform_5, window_bounds = array<i64: 1, 102400>}]} {
    %eq3A = arith.constant 0 : i32
    %eq3A_0 = arith.cmpi eq, %arg0, %eq3A : i32
    %convert_element_type3A = arith.extui %eq3A_0 : i1 to i32
    %cond3A = arith.constant 0 : i32
    %cond3A_1 = arith.cmpi ne, %convert_element_type3A, %cond3A : i32
    scf.if %cond3A_1 {
      %get3A_20 = arith.constant 0 : index
      %get3A_21 = arith.constant 0 : index
      %get3A_22 = vector.load %arg3[%get3A_20, %get3A_21] : memref<1x128xf32, #tpu.memory_space<vmem>>, vector<1x128xf32>
      %get3A_23 = arith.constant 0 : index
      %get3A_24 = arith.constant 0 : index
      %get3A_25 = vector.load %arg1[%get3A_23, %get3A_24] : memref<24x128xf32, #tpu.memory_space<vmem>>, vector<1x128xf32>
      %get3A_26 = arith.constant 0 : index
      %get3A_27 = arith.constant 0 : index
      %get3A_28 = vector.load %arg2[%get3A_26, %get3A_27] : memref<128x2560xf32, #tpu.memory_space<vmem>>, vector<128x128xf32>
      %dot_general3A_29 = arith.constant dense<0.000000e+00> : vector<1x128xf32>
      %dot_general3A_30 = tpu.matmul %get3A_25, %get3A_28, %dot_general3A_29 {dimension_numbers = #tpu.dot_dimension_numbers<[1], [1], [0], [0], [0, 0, 1, 0], [], []>, transpose_lhs_hint = false} : vector<1x128xf32>, vector<128x128xf32>, vector<1x128xf32> -> vector<1x128xf32>
      %add3A_31 = arith.addf %get3A_22, %dot_general3A_30 : vector<1x128xf32>
      %get3A_32 = arith.constant 1 : index
      %get3A_33 = arith.constant 0 : index
      %get3A_34 = vector.load %arg1[%get3A_32, %get3A_33] : memref<24x128xf32, #tpu.memory_space<vmem>>, vector<1x128xf32>
      %get3A_35 = arith.constant 0 : index
      %get3A_36 = arith.constant 128 : index
      %get3A_37 = vector.load %arg2[%get3A_35, %get3A_36] : memref<128x2560xf32, #tpu.memory_space<vmem>>, vector<128x128xf32>
      %dot_general3A_38 = arith.constant dense<0.000000e+00> : vector<1x128xf32>
      %dot_general3A_39 = tpu.matmul %get3A_34, %get3A_37, %dot_general3A_38 {dimension_numbers = #tpu.dot_dimension_numbers<[1], [1], [0], [0], [0, 0, 1, 0], [], []>, transpose_lhs_hint = false} : vector<1x128xf32>, vector<128x128xf32>, vector<1x128xf32> -> vector<1x128xf32>
      %add3A_40 = arith.addf %add3A_31, %dot_general3A_39 : vector<1x128xf32>
      %get3A_41 = arith.constant 2 : index
      %get3A_42 = arith.constant 0 : index
      %get3A_43 = vector.load %arg1[%get3A_41, %get3A_42] : memref<24x128xf32, #tpu.memory_space<vmem>>, vector<1x128xf32>
      %get3A_44 = arith.constant 0 : index
      %get3A_45 = arith.constant 256 : index
      %get3A_46 = vector.load %arg2[%get3A_44, %get3A_45] : memref<128x2560xf32, #tpu.memory_space<vmem>>, vector<128x128xf32>
      %dot_general3A_47 = arith.constant dense<0.000000e+00> : vector<1x128xf32>
      %dot_general3A_48 = tpu.matmul %get3A_43, %get3A_46, %dot_general3A_47 {dimension_numbers = #tpu.dot_dimension_numbers<[1], [1], [0], [0], [0, 0, 1, 0], [], []>, transpose_lhs_hint = false} : vector<1x128xf32>, vector<128x128xf32>, vector<1x128xf32> -> vector<1x128xf32>
      %add3A_49 = arith.addf %add3A_40, %dot_general3A_48 : vector<1x128xf32>
      %get3A_50 = arith.constant 3 : index
      %get3A_51 = arith.constant 0 : index
      %get3A_52 = vector.load %arg1[%get3A_50, %get3A_51] : memref<24x128xf32, #tpu.memory_space<vmem>>, vector<1x128xf32>
      %get3A_53 = arith.constant 0 : index
      %get3A_54 = arith.constant 384 : index
      %get3A_55 = vector.load %arg2[%get3A_53, %get3A_54] : memref<128x2560xf32, #tpu.memory_space<vmem>>, vector<128x128xf32>
      %dot_general3A_56 = arith.constant dense<0.000000e+00> : vector<1x128xf32>
      %dot_general3A_57 = tpu.matmul %get3A_52, %get3A_55, %dot_general3A_56 {dimension_numbers = #tpu.dot_dimension_numbers<[1], [1], [0], [0], [0, 0, 1, 0], [], []>, transpose_lhs_hint = false} : vector<1x128xf32>, vector<128x128xf32>, vector<1x128xf32> -> vector<1x128xf32>
      %add3A_58 = arith.addf %add3A_49, %dot_general3A_57 : vector<1x128xf32>
      %get3A_59 = arith.constant 4 : index
      %get3A_60 = arith.constant 0 : index
      %get3A_61 = vector.load %arg1[%get3A_59, %get3A_60] : memref<24x128xf32, #tpu.memory_space<vmem>>, vector<1x128xf32>
      %get3A_62 = arith.constant 0 : index
      %get3A_63 = arith.constant 512 : index
      %get3A_64 = vector.load %arg2[%get3A_62, %get3A_63] : memref<128x2560xf32, #tpu.memory_space<vmem>>, vector<128x128xf32>
      %dot_general3A_65 = arith.constant dense<0.000000e+00> : vector<1x128xf32>
      %dot_general3A_66 = tpu.matmul %get3A_61, %get3A_64, %dot_general3A_65 {dimension_numbers = #tpu.dot_dimension_numbers<[1], [1], [0], [0], [0, 0, 1, 0], [], []>, transpose_lhs_hint = false} : vector<1x128xf32>, vector<128x128xf32>, vector<1x128xf32> -> vector<1x128xf32>
      %add3A_67 = arith.addf %add3A_58, %dot_general3A_66 : vector<1x128xf32>
      %get3A_68 = arith.constant 5 : index
      %get3A_69 = arith.constant 0 : index
      %get3A_70 = vector.load %arg1[%get3A_68, %get3A_69] : memref<24x128xf32, #tpu.memory_space<vmem>>, vector<1x128xf32>
      %get3A_71 = arith.constant 0 : index
      %get3A_72 = arith.constant 640 : index
      %get3A_73 = vector.load %arg2[%get3A_71, %get3A_72] : memref<128x2560xf32, #tpu.memory_space<vmem>>, vector<128x128xf32>
      %dot_general3A_74 = arith.constant dense<0.000000e+00> : vector<1x128xf32>
      %dot_general3A_75 = tpu.matmul %get3A_70, %get3A_73, %dot_general3A_74 {dimension_numbers = #tpu.dot_dimension_numbers<[1], [1], [0], [0], [0, 0, 1, 0], [], []>, transpose_lhs_hint = false} : vector<1x128xf32>, vector<128x128xf32>, vector<1x128xf32> -> vector<1x128xf32>
      %add3A_76 = arith.addf %add3A_67, %dot_general3A_75 : vector<1x128xf32>
      %get3A_77 = arith.constant 6 : index
      %get3A_78 = arith.constant 0 : index
      %get3A_79 = vector.load %arg1[%get3A_77, %get3A_78] : memref<24x128xf32, #tpu.memory_space<vmem>>, vector<1x128xf32>
      %get3A_80 = arith.constant 0 : index
      %get3A_81 = arith.constant 768 : index
      %get3A_82 = vector.load %arg2[%get3A_80, %get3A_81] : memref<128x2560xf32, #tpu.memory_space<vmem>>, vector<128x128xf32>
      %dot_general3A_83 = arith.constant dense<0.000000e+00> : vector<1x128xf32>
      %dot_general3A_84 = tpu.matmul %get3A_79, %get3A_82, %dot_general3A_83 {dimension_numbers = #tpu.dot_dimension_numbers<[1], [1], [0], [0], [0, 0, 1, 0], [], []>, transpose_lhs_hint = false} : vector<1x128xf32>, vector<128x128xf32>, vector<1x128xf32> -> vector<1x128xf32>
      %add3A_85 = arith.addf %add3A_76, %dot_general3A_84 : vector<1x128xf32>
      %get3A_86 = arith.constant 7 : index
      %get3A_87 = arith.constant 0 : index
      %get3A_88 = vector.load %arg1[%get3A_86, %get3A_87] : memref<24x128xf32, #tpu.memory_space<vmem>>, vector<1x128xf32>
      %get3A_89 = arith.constant 0 : index
      %get3A_90 = arith.constant 896 : index
      %get3A_91 = vector.load %arg2[%get3A_89, %get3A_90] : memref<128x2560xf32, #tpu.memory_space<vmem>>, vector<128x128xf32>
      %dot_general3A_92 = arith.constant dense<0.000000e+00> : vector<1x128xf32>
      %dot_general3A_93 = tpu.matmul %get3A_88, %get3A_91, %dot_general3A_92 {dimension_numbers = #tpu.dot_dimension_numbers<[1], [1], [0], [0], [0, 0, 1, 0], [], []>, transpose_lhs_hint = false} : vector<1x128xf32>, vector<128x128xf32>, vector<1x128xf32> -> vector<1x128xf32>
      %add3A_94 = arith.addf %add3A_85, %dot_general3A_93 : vector<1x128xf32>
      %get3A_95 = arith.constant 8 : index
      %get3A_96 = arith.constant 0 : index
      %get3A_97 = vector.load %arg1[%get3A_95, %get3A_96] : memref<24x128xf32, #tpu.memory_space<vmem>>, vector<1x128xf32>
      %get3A_98 = arith.constant 0 : index
      %get3A_99 = arith.constant 1024 : index
      %get3A_100 = vector.load %arg2[%get3A_98, %get3A_99] : memref<128x2560xf32, #tpu.memory_space<vmem>>, vector<128x128xf32>
      %dot_general3A_101 = arith.constant dense<0.000000e+00> : vector<1x128xf32>
      %dot_general3A_102 = tpu.matmul %get3A_97, %get3A_100, %dot_general3A_101 {dimension_numbers = #tpu.dot_dimension_numbers<[1], [1], [0], [0], [0, 0, 1, 0], [], []>, transpose_lhs_hint = false} : vector<1x128xf32>, vector<128x128xf32>, vector<1x128xf32> -> vector<1x128xf32>
      %add3A_103 = arith.addf %add3A_94, %dot_general3A_102 : vector<1x128xf32>
      %get3A_104 = arith.constant 9 : index
      %get3A_105 = arith.constant 0 : index
      %get3A_106 = vector.load %arg1[%get3A_104, %get3A_105] : memref<24x128xf32, #tpu.memory_space<vmem>>, vector<1x128xf32>
      %get3A_107 = arith.constant 0 : index
      %get3A_108 = arith.constant 1152 : index
      %get3A_109 = vector.load %arg2[%get3A_107, %get3A_108] : memref<128x2560xf32, #tpu.memory_space<vmem>>, vector<128x128xf32>
      %dot_general3A_110 = arith.constant dense<0.000000e+00> : vector<1x128xf32>
      %dot_general3A_111 = tpu.matmul %get3A_106, %get3A_109, %dot_general3A_110 {dimension_numbers = #tpu.dot_dimension_numbers<[1], [1], [0], [0], [0, 0, 1, 0], [], []>, transpose_lhs_hint = false} : vector<1x128xf32>, vector<128x128xf32>, vector<1x128xf32> -> vector<1x128xf32>
      %add3A_112 = arith.addf %add3A_103, %dot_general3A_111 : vector<1x128xf32>
      %get3A_113 = arith.constant 10 : index
      %get3A_114 = arith.constant 0 : index
      %get3A_115 = vector.load %arg1[%get3A_113, %get3A_114] : memref<24x128xf32, #tpu.memory_space<vmem>>, vector<1x128xf32>
      %get3A_116 = arith.constant 0 : index
      %get3A_117 = arith.constant 1280 : index
      %get3A_118 = vector.load %arg2[%get3A_116, %get3A_117] : memref<128x2560xf32, #tpu.memory_space<vmem>>, vector<128x128xf32>
      %dot_general3A_119 = arith.constant dense<0.000000e+00> : vector<1x128xf32>
      %dot_general3A_120 = tpu.matmul %get3A_115, %get3A_118, %dot_general3A_119 {dimension_numbers = #tpu.dot_dimension_numbers<[1], [1], [0], [0], [0, 0, 1, 0], [], []>, transpose_lhs_hint = false} : vector<1x128xf32>, vector<128x128xf32>, vector<1x128xf32> -> vector<1x128xf32>
      %add3A_121 = arith.addf %add3A_112, %dot_general3A_120 : vector<1x128xf32>
      %get3A_122 = arith.constant 11 : index
      %get3A_123 = arith.constant 0 : index
      %get3A_124 = vector.load %arg1[%get3A_122, %get3A_123] : memref<24x128xf32, #tpu.memory_space<vmem>>, vector<1x128xf32>
      %get3A_125 = arith.constant 0 : index
      %get3A_126 = arith.constant 1408 : index
      %get3A_127 = vector.load %arg2[%get3A_125, %get3A_126] : memref<128x2560xf32, #tpu.memory_space<vmem>>, vector<128x128xf32>
      %dot_general3A_128 = arith.constant dense<0.000000e+00> : vector<1x128xf32>
      %dot_general3A_129 = tpu.matmul %get3A_124, %get3A_127, %dot_general3A_128 {dimension_numbers = #tpu.dot_dimension_numbers<[1], [1], [0], [0], [0, 0, 1, 0], [], []>, transpose_lhs_hint = false} : vector<1x128xf32>, vector<128x128xf32>, vector<1x128xf32> -> vector<1x128xf32>
      %add3A_130 = arith.addf %add3A_121, %dot_general3A_129 : vector<1x128xf32>
      %get3A_131 = arith.constant 12 : index
      %get3A_132 = arith.constant 0 : index
      %get3A_133 = vector.load %arg1[%get3A_131, %get3A_132] : memref<24x128xf32, #tpu.memory_space<vmem>>, vector<1x128xf32>
      %get3A_134 = arith.constant 0 : index
      %get3A_135 = arith.constant 1536 : index
      %get3A_136 = vector.load %arg2[%get3A_134, %get3A_135] : memref<128x2560xf32, #tpu.memory_space<vmem>>, vector<128x128xf32>
      %dot_general3A_137 = arith.constant dense<0.000000e+00> : vector<1x128xf32>
      %dot_general3A_138 = tpu.matmul %get3A_133, %get3A_136, %dot_general3A_137 {dimension_numbers = #tpu.dot_dimension_numbers<[1], [1], [0], [0], [0, 0, 1, 0], [], []>, transpose_lhs_hint = false} : vector<1x128xf32>, vector<128x128xf32>, vector<1x128xf32> -> vector<1x128xf32>
      %add3A_139 = arith.addf %add3A_130, %dot_general3A_138 : vector<1x128xf32>
      %get3A_140 = arith.constant 13 : index
      %get3A_141 = arith.constant 0 : index
      %get3A_142 = vector.load %arg1[%get3A_140, %get3A_141] : memref<24x128xf32, #tpu.memory_space<vmem>>, vector<1x128xf32>
      %get3A_143 = arith.constant 0 : index
      %get3A_144 = arith.constant 1664 : index
      %get3A_145 = vector.load %arg2[%get3A_143, %get3A_144] : memref<128x2560xf32, #tpu.memory_space<vmem>>, vector<128x128xf32>
      %dot_general3A_146 = arith.constant dense<0.000000e+00> : vector<1x128xf32>
      %dot_general3A_147 = tpu.matmul %get3A_142, %get3A_145, %dot_general3A_146 {dimension_numbers = #tpu.dot_dimension_numbers<[1], [1], [0], [0], [0, 0, 1, 0], [], []>, transpose_lhs_hint = false} : vector<1x128xf32>, vector<128x128xf32>, vector<1x128xf32> -> vector<1x128xf32>
      %add3A_148 = arith.addf %add3A_139, %dot_general3A_147 : vector<1x128xf32>
      %get3A_149 = arith.constant 14 : index
      %get3A_150 = arith.constant 0 : index
      %get3A_151 = vector.load %arg1[%get3A_149, %get3A_150] : memref<24x128xf32, #tpu.memory_space<vmem>>, vector<1x128xf32>
      %get3A_152 = arith.constant 0 : index
      %get3A_153 = arith.constant 1792 : index
      %get3A_154 = vector.load %arg2[%get3A_152, %get3A_153] : memref<128x2560xf32, #tpu.memory_space<vmem>>, vector<128x128xf32>
      %dot_general3A_155 = arith.constant dense<0.000000e+00> : vector<1x128xf32>
      %dot_general3A_156 = tpu.matmul %get3A_151, %get3A_154, %dot_general3A_155 {dimension_numbers = #tpu.dot_dimension_numbers<[1], [1], [0], [0], [0, 0, 1, 0], [], []>, transpose_lhs_hint = false} : vector<1x128xf32>, vector<128x128xf32>, vector<1x128xf32> -> vector<1x128xf32>
      %add3A_157 = arith.addf %add3A_148, %dot_general3A_156 : vector<1x128xf32>
      %get3A_158 = arith.constant 15 : index
      %get3A_159 = arith.constant 0 : index
      %get3A_160 = vector.load %arg1[%get3A_158, %get3A_159] : memref<24x128xf32, #tpu.memory_space<vmem>>, vector<1x128xf32>
      %get3A_161 = arith.constant 0 : index
      %get3A_162 = arith.constant 1920 : index
      %get3A_163 = vector.load %arg2[%get3A_161, %get3A_162] : memref<128x2560xf32, #tpu.memory_space<vmem>>, vector<128x128xf32>
      %dot_general3A_164 = arith.constant dense<0.000000e+00> : vector<1x128xf32>
      %dot_general3A_165 = tpu.matmul %get3A_160, %get3A_163, %dot_general3A_164 {dimension_numbers = #tpu.dot_dimension_numbers<[1], [1], [0], [0], [0, 0, 1, 0], [], []>, transpose_lhs_hint = false} : vector<1x128xf32>, vector<128x128xf32>, vector<1x128xf32> -> vector<1x128xf32>
      %add3A_166 = arith.addf %add3A_157, %dot_general3A_165 : vector<1x128xf32>
      %get3A_167 = arith.constant 16 : index
      %get3A_168 = arith.constant 0 : index
      %get3A_169 = vector.load %arg1[%get3A_167, %get3A_168] : memref<24x128xf32, #tpu.memory_space<vmem>>, vector<1x128xf32>
      %get3A_170 = arith.constant 0 : index
      %get3A_171 = arith.constant 2048 : index
      %get3A_172 = vector.load %arg2[%get3A_170, %get3A_171] : memref<128x2560xf32, #tpu.memory_space<vmem>>, vector<128x128xf32>
      %dot_general3A_173 = arith.constant dense<0.000000e+00> : vector<1x128xf32>
      %dot_general3A_174 = tpu.matmul %get3A_169, %get3A_172, %dot_general3A_173 {dimension_numbers = #tpu.dot_dimension_numbers<[1], [1], [0], [0], [0, 0, 1, 0], [], []>, transpose_lhs_hint = false} : vector<1x128xf32>, vector<128x128xf32>, vector<1x128xf32> -> vector<1x128xf32>
      %add3A_175 = arith.addf %add3A_166, %dot_general3A_174 : vector<1x128xf32>
      %get3A_176 = arith.constant 17 : index
      %get3A_177 = arith.constant 0 : index
      %get3A_178 = vector.load %arg1[%get3A_176, %get3A_177] : memref<24x128xf32, #tpu.memory_space<vmem>>, vector<1x128xf32>
      %get3A_179 = arith.constant 0 : index
      %get3A_180 = arith.constant 2176 : index
      %get3A_181 = vector.load %arg2[%get3A_179, %get3A_180] : memref<128x2560xf32, #tpu.memory_space<vmem>>, vector<128x128xf32>
      %dot_general3A_182 = arith.constant dense<0.000000e+00> : vector<1x128xf32>
      %dot_general3A_183 = tpu.matmul %get3A_178, %get3A_181, %dot_general3A_182 {dimension_numbers = #tpu.dot_dimension_numbers<[1], [1], [0], [0], [0, 0, 1, 0], [], []>, transpose_lhs_hint = false} : vector<1x128xf32>, vector<128x128xf32>, vector<1x128xf32> -> vector<1x128xf32>
      %add3A_184 = arith.addf %add3A_175, %dot_general3A_183 : vector<1x128xf32>
      %get3A_185 = arith.constant 18 : index
      %get3A_186 = arith.constant 0 : index
      %get3A_187 = vector.load %arg1[%get3A_185, %get3A_186] : memref<24x128xf32, #tpu.memory_space<vmem>>, vector<1x128xf32>
      %get3A_188 = arith.constant 0 : index
      %get3A_189 = arith.constant 2304 : index
      %get3A_190 = vector.load %arg2[%get3A_188, %get3A_189] : memref<128x2560xf32, #tpu.memory_space<vmem>>, vector<128x128xf32>
      %dot_general3A_191 = arith.constant dense<0.000000e+00> : vector<1x128xf32>
      %dot_general3A_192 = tpu.matmul %get3A_187, %get3A_190, %dot_general3A_191 {dimension_numbers = #tpu.dot_dimension_numbers<[1], [1], [0], [0], [0, 0, 1, 0], [], []>, transpose_lhs_hint = false} : vector<1x128xf32>, vector<128x128xf32>, vector<1x128xf32> -> vector<1x128xf32>
      %add3A_193 = arith.addf %add3A_184, %dot_general3A_192 : vector<1x128xf32>
      %get3A_194 = arith.constant 19 : index
      %get3A_195 = arith.constant 0 : index
      %get3A_196 = vector.load %arg1[%get3A_194, %get3A_195] : memref<24x128xf32, #tpu.memory_space<vmem>>, vector<1x128xf32>
      %get3A_197 = arith.constant 0 : index
      %get3A_198 = arith.constant 2432 : index
      %get3A_199 = vector.load %arg2[%get3A_197, %get3A_198] : memref<128x2560xf32, #tpu.memory_space<vmem>>, vector<128x128xf32>
      %dot_general3A_200 = arith.constant dense<0.000000e+00> : vector<1x128xf32>
      %dot_general3A_201 = tpu.matmul %get3A_196, %get3A_199, %dot_general3A_200 {dimension_numbers = #tpu.dot_dimension_numbers<[1], [1], [0], [0], [0, 0, 1, 0], [], []>, transpose_lhs_hint = false} : vector<1x128xf32>, vector<128x128xf32>, vector<1x128xf32> -> vector<1x128xf32>
      %add3A_202 = arith.addf %add3A_193, %dot_general3A_201 : vector<1x128xf32>
      %max3A = arith.constant 0.000000e+00 : f32
      %max3A_203 = vector.broadcast %max3A : f32 to vector<1x128xf32>
      %max3A_204 = arith.maximumf %add3A_202, %max3A_203 : vector<1x128xf32>
      %swap3A = arith.constant 0 : index
      %swap3A_205 = arith.constant 0 : index
      %swap3A_206 = vector.load %arg7[%swap3A, %swap3A_205] : memref<1x128xf32, #tpu.memory_space<vmem>>, vector<1x128xf32>
      tpu.vector_store %arg7[%swap3A, %swap3A_205], %max3A_204 {strides = array<i32>} : memref<1x128xf32, #tpu.memory_space<vmem>>, vector<1x128xf32>,
    } else {
    }
    %get3A = arith.constant 0 : index
    %get3A_2 = arith.constant 0 : index
    %get3A_3 = vector.load %arg7[%get3A, %get3A_2] : memref<1x128xf32, #tpu.memory_space<vmem>>, vector<1x128xf32>
    %get3A_4 = arith.constant 0 : index
    %get3A_5 = arith.constant 0 : index
    %get3A_6 = vector.load %arg4[%get3A_4, %get3A_5] : memref<12800x128xf32, #tpu.memory_space<vmem>>, vector<12800x128xf32>
    %dot_general3A = arith.constant dense<0.000000e+00> : vector<1x12800xf32>
    %dot_general3A_7 = tpu.matmul %get3A_3, %get3A_6, %dot_general3A {dimension_numbers = #tpu.dot_dimension_numbers<[1], [1], [0], [0], [0, 0, 1, 0], [], []>, transpose_lhs_hint = false} : vector<1x128xf32>, vector<12800x128xf32>, vector<1x12800xf32> -> vector<1x12800xf32>
    %get3A_8 = arith.constant 0 : index
    %get3A_9 = arith.constant 0 : index
    %get3A_10 = vector.load %arg5[%get3A_8, %get3A_9] : memref<1x12800xf32, #tpu.memory_space<vmem>>, vector<1x12800xf32>
    %add3A = arith.addf %dot_general3A_7, %get3A_10 : vector<1x12800xf32>
    %lt3A = arith.constant 7 : i32
    %lt3A_11 = arith.cmpi slt, %arg0, %lt3A : i32
    %convert_element_type3A_12 = arith.extui %lt3A_11 : i1 to i32
    %cond3A_13 = arith.constant 0 : i32
    %cond3A_14 = arith.cmpi ne, %convert_element_type3A_12, %cond3A_13 : i32
    scf.if %cond3A_14 {
      %mul3A = arith.constant 12800 : i32
      %mul3A_20 = arith.muli %arg0, %mul3A : i32
      %swap3A = arith.constant 0 : index
      %swap3A_21 = arith.index_cast %mul3A_20 : i32 to index
      %swap3A_22 = vector.load %arg6[%swap3A, %swap3A_21] : memref<1x102400xf32, #tpu.memory_space<vmem>>, vector<1x12800xf32>
      tpu.vector_store %arg6[%swap3A, %swap3A_21], %add3A {strides = array<i32>} : memref<1x102400xf32, #tpu.memory_space<vmem>>, vector<1x12800xf32>,
    } else {
    }
    %eq3A_15 = arith.constant 7 : i32
    %eq3A_16 = arith.cmpi eq, %arg0, %eq3A_15 : i32
    %convert_element_type3A_17 = arith.extui %eq3A_16 : i1 to i32
    %cond3A_18 = arith.constant 0 : i32
    %cond3A_19 = arith.cmpi ne, %convert_element_type3A_17, %cond3A_18 : i32
    scf.if %cond3A_19 {
      %iota3A = tpu.iota {dimensions = array<i32: 1>} : vector<1x12800xi32>
      %add3A_20 = arith.constant 89600 : i32
      %add3A_21 = vector.broadcast %add3A_20 : i32 to vector<1x12800xi32>
      %add3A_22 = arith.addi %add3A_21, %iota3A : vector<1x12800xi32>
      %lt3A_23 = arith.constant 100000 : i32
      %lt3A_24 = vector.broadcast %lt3A_23 : i32 to vector<1x12800xi32>
      %lt3A_25 = arith.cmpi slt, %add3A_22, %lt3A_24 : vector<1x12800xi32>
      %jit3A = arith.constant -1.000000e+30 : f32
      %broadcast_in_dim3A = vector.broadcast %jit3A : f32 to vector<1x12800xf32>
      %select_n3A = arith.select %lt3A_25, %add3A, %broadcast_in_dim3A : vector<1x12800xi1>, vector<1x12800xf32>
      %swap3A = arith.constant 0 : index
      %swap3A_26 = arith.constant 89600 : index
      %swap3A_27 = vector.load %arg6[%swap3A, %swap3A_26] : memref<1x102400xf32, #tpu.memory_space<vmem>>, vector<1x12800xf32>
      tpu.vector_store %arg6[%swap3A, %swap3A_26], %select_n3A {strides = array<i32>} : memref<1x102400xf32, #tpu.memory_space<vmem>>, vector<1x12800xf32>,
      %get3A_28 = arith.constant 0 : index
      %get3A_29 = arith.constant 0 : index
      %get3A_30 = vector.load %arg6[%get3A_28, %get3A_29] : memref<1x102400xf32, #tpu.memory_space<vmem>>, vector<1x102400xf32>
      %reduce_max3A = arith.constant dense<0xFF800000> : vector<1xf32>
      %reduce_max3A_31 = vector.multi_reduction <maximumf>, %get3A_30, %reduce_max3A [1] : vector<1x102400xf32> to vector<1xf32>
      %broadcast_in_dim3A_32 = vector.shape_cast %reduce_max3A_31 : vector<1xf32> to vector<1x1xf32>
      %sub3A = vector.broadcast %broadcast_in_dim3A_32 : vector<1x1xf32> to vector<1x102400xf32>
      %sub3A_33 = arith.subf %get3A_30, %sub3A : vector<1x102400xf32>
      %exp3A = math.exp %sub3A_33 : vector<1x102400xf32>
      %reduce_sum3A = arith.constant dense<0.000000e+00> : vector<1xf32>
      %reduce_sum3A_34 = vector.multi_reduction <add>, %exp3A, %reduce_sum3A [1] : vector<1x102400xf32> to vector<1xf32>
      %broadcast_in_dim3A_35 = vector.shape_cast %reduce_sum3A_34 : vector<1xf32> to vector<1x1xf32>
      %log3A = math.log %broadcast_in_dim3A_35 : vector<1x1xf32>
      %add3A_36 = arith.addf %broadcast_in_dim3A_32, %log3A : vector<1x1xf32>
      %sub3A_37 = vector.broadcast %add3A_36 : vector<1x1xf32> to vector<1x102400xf32>
      %sub3A_38 = arith.subf %get3A_30, %sub3A_37 : vector<1x102400xf32>
      %swap3A_39 = arith.constant 0 : index
      %swap3A_40 = arith.constant 0 : index
      %swap3A_41 = vector.load %arg6[%swap3A_39, %swap3A_40] : memref<1x102400xf32, #tpu.memory_space<vmem>>, vector<1x102400xf32>
      tpu.vector_store %arg6[%swap3A_39, %swap3A_40], %sub3A_38 {strides = array<i32>} : memref<1x102400xf32, #tpu.memory_space<vmem>>, vector<1x102400xf32>,
    } else {
    }
    return
  }
  func.func @transform_0(%arg0: i32) -> (i32, i32) {
    %c0_i32 = arith.constant 0 : i32
    %c0_i32_0 = arith.constant 0 : i32
    %c0_i32_1 = arith.constant 0 : i32
    return %c0_i32, %c0_i32_0 : i32, i32
  }
  func.func @transform_1(%arg0: i32) -> (i32, i32) {
    %c0_i32 = arith.constant 0 : i32
    %c0_i32_0 = arith.constant 0 : i32
    %c0_i32_1 = arith.constant 0 : i32
    return %c0_i32, %c0_i32_0 : i32, i32
  }
  func.func @transform_2(%arg0: i32) -> (i32, i32) {
    %c0_i32 = arith.constant 0 : i32
    %c0_i32_0 = arith.constant 0 : i32
    %c0_i32_1 = arith.constant 0 : i32
    return %c0_i32, %c0_i32_0 : i32, i32
  }
  func.func @transform_3(%arg0: i32) -> (i32, i32) {
    %c0_i32 = arith.constant 0 : i32
    %c0_i32_0 = arith.constant 0 : i32
    return %arg0, %c0_i32 : i32, i32
  }
  func.func @transform_4(%arg0: i32) -> (i32, i32) {
    %c0_i32 = arith.constant 0 : i32
    %c0_i32_0 = arith.constant 0 : i32
    return %c0_i32, %arg0 : i32, i32
  }
  func.func @transform_5(%arg0: i32) -> (i32, i32) {
    %c0_i32 = arith.constant 0 : i32
    %c0_i32_0 = arith.constant 0 : i32
    %c0_i32_1 = arith.constant 0 : i32
    return %c0_i32, %c0_i32_0 : i32, i32
  }
}

</mosaic_0001>

<sc_bundles>
// kernel: kernel.4.cloned.1.call-start
scs
__scs_entry_jumppad:
0x0: {  	(pc) =	sbr.rel $0x88, $3  }
0x1: {  	(tag) =	ssettag $0x0;
	lr =	simm.s32 $0x1  }
0x2: {  	[smem:$0x3F9B] =	sst lr;
	_ =	strace $0xD0000000  }
0x3: {  	_ = 	snop  }
0x4: {  	_ = 	snop  }
0x5: {  	_ = 	snop  }
0x6: {  	_ = 	snop  }
0x7: {  	_ = 	snop  }
__scs_overlays_trampoline_lowered:
0x8: {  	[smem:$0x3FAA] =	sst s0  }
0x9: {  	[smem:$0x3FAB] =	sst s1  }
0xa: {  	[smem:$0x3FAC] =	sst s2  }
0xb: {  	[smem:$0x3FAD] =	sst s3  }
0xc: {  	[smem:$0x3FAE] =	sst s4  }
0xd: {  	[smem:$0x3FAF] =	sst s5  }
0xe: {  	[smem:$0x3FB0] =	sst s6  }
0xf: {  	[smem:$0x3FB1] =	sst s7  }
0x10: {  	[smem:$0x3FB2] =	sst s8  }
0x11: {  	[smem:$0x3FB3] =	sst s9;
	s0 =	simm.s32 @!p0 $0x0  }
0x12: {  	s1 =	sld [smem:$0x3F99];
	s0 =	simm.s32 @p0 $0x1  }
0x13: {  	[smem:$0x3FB4] =	sst s0;
	s0 =	simm.s32 @!p1 $0x0  }
0x14: {  	s2 =	sld [smem:$0x3F98];
	s0 =	simm.s32 @p1 $0x1  }
0x15: {  	[smem:$0x3FB5] =	sst s0;
	s0 =	simm.s32 @!p2 $0x0  }
0x16: {  	s3 =	sld [smem:$0x3FDB];
	s0 =	simm.s32 @p2 $0x1  }
0x17: {  	s4 =	simm.s32 $0x1BF5;
	[smem:$0x3FB7] =	sst s0  }
0x18: {  	s0 =	sld [smem:$0x3F9A];
	_ =	swait.ge [sflag:s4], $0x0  }
0x19: {  	s7 =	sld [smem:$0x3F9B]  }
0x1a: {  	s8 =	sadd.s32 $0xFFFFE003, lr  }
0x1b: {  	s9 =	sadd.s32 $0xFFFFFEF7, lr;
	s5 =	simm.s32 $0xFFFFFFFF;
	p2 =	slt.u32 s8, $0xFFFFF086  }
0x1c: {  	p1 =	slt.u32 s9, $0xF7A;
	s5 =	simm.s32 @!p2 $0x0  }
0x1d: {  	s5 =	simm.s32 @p1 $0x1;
	p0 =	seq.s32 s7, s2  }
0x1e: {  	s7 =	smul.u32 @!p0 $0xF7A, s2;
	p2 =	seq.s32 @!p0 s5, $0x0  }
0x1f: {  	s9 =	smul.u32 $0xF7A, s1;
	s8 =	simm.s32 @!p0 $0x1BF5;
	p2 =	por !p2, p0  }
0x20: {  	[sflag:s8] =	ssyncset.s32 @!p0 $0xFFFFF086;
	s6 =	sadd.s32 @!p0 s3, s7;
	s7 =	simm.s32 @!p0 $0x108  }
0x21: {  	s3 =	sadd.s32 s3, s9;
	s6 =	sadd.s32 @!p0 $0x88, s6;
	s7 =	simm.s32 @p2 $0x1082  }
0x22: {  	[simem:s7], [sflag:s8] =	dma.local @!p0 [hbm:s6], $0xF7A  }
0x23: {  	s9 =	sor.u32 $0xD0000000, s2;
	s6 =	simm.s32 $0x108;
	_ =	swait.ge @!p0 [sflag:s8], $0x0  }
0x24: {  	s3 =	sadd.s32 $0x88, s3;
	s6 =	simm.s32 @!p1 $0x1082;
	[sflag:s4] =	ssyncset.s32 $0xFFFFF086  }
0x25: {  	[simem:s6], [sflag:s4] =	dma.local [hbm:s3], $0xF7A  }
0x26: {  	[smem:$0x3F9B] =	sst s1;
	(tag) =	ssettag s2;
	_ =	strace s9  }
0x27: {  	s1 =	sld [smem:$0x3FAB]  }
0x28: {  	s2 =	sld [smem:$0x3FAC]  }
0x29: {  	s4 =	sld [smem:$0x3FAE]  }
0x2a: {  	p0 =	seq.s32 s5, $0x0;
	s5 =	sld [smem:$0x3FAF]  }
0x2b: {  	s6 =	sld [smem:$0x3FB0]  }
0x2c: {  	s7 =	sld [smem:$0x3FB1]  }
0x2d: {  	s3 =	simm.s32 $0x108;
	s8 =	sld [smem:$0x3FB2]  }
0x2e: {  	s3 =	simm.s32 @!p0 $0x1082;
	s9 =	sld [smem:$0x3FB3]  }
0x2f: {  	lr =	sadd.s32 s0, s3;
	s0 =	sld [smem:$0x3FAA]  }
0x30: {  	s3 =	sld [smem:$0x3FAD]  }
0x31: {  	[smem:$0x3FB6] =	sst s10  }
0x32: {  	s10 =	sld [smem:$0x3FB4];
	_ =	sdelay $0x3  }
0x33: {  	p0 =	seq.s32 s10, $0x1;
	s10 =	sld [smem:$0x3FB6];
	_ =	sdelay $0x3  }
0x34: {  	[smem:$0x3FB6] =	sst s10  }
0x35: {  	s10 =	sld [smem:$0x3FB5];
	_ =	sdelay $0x3  }
0x36: {  	p1 =	seq.s32 s10, $0x1;
	s10 =	sld [smem:$0x3FB6];
	_ =	sdelay $0x3  }
0x37: {  	[smem:$0x3FB6] =	sst s10  }
0x38: {  	s10 =	sld [smem:$0x3FB7]  }
0x39: {  	_ = 	snop;
	(pc) =	sbr.ind lr, $3  }
0x3a: {  	_ = 	snop  }
0x3b: {  	_ = 	snop  }
0x3c: {  	p2 =	seq.s32 s10, $0x1;
	s10 =	sld [smem:$0x3FB6]  }
0x3d: {  	_ =	shalt  }
0x3e: {  	_ =	shalt  }
0x3f: {  	_ =	shalt  }
0x40: {  	_ =	shalt  }
0x41: {  	_ =	shalt  }
0x42: {  	_ =	shalt  }
0x43: {  	_ =	shalt  }
0x44: {  	_ =	shalt  }
0x45: {  	_ =	shalt  }
0x46: {  	_ =	shalt  }
0x47: {  	_ =	shalt  }
0x48: {  	_ =	shalt  }
0x49: {  	_ =	shalt  }
0x4a: {  	_ =	shalt  }
0x4b: {  	_ =	shalt  }
0x4c: {  	_ =	shalt  }
0x4d: {  	_ =	shalt  }
0x4e: {  	_ =	shalt  }
0x4f: {  	_ =	shalt  }
0x50: {  	_ =	shalt  }
0x51: {  	_ =	shalt  }
0x52: {  	_ =	shalt  }
0x53: {  	_ =	shalt  }
0x54: {  	_ =	shalt  }
0x55: {  	_ =	shalt  }
0x56: {  	_ =	shalt  }
0x57: {  	_ =	shalt  }
0x58: {  	_ =	shalt  }
0x59: {  	_ =	shalt  }
0x5a: {  	_ =	shalt  }
0x5b: {  	_ =	shalt  }
0x5c: {  	_ =	shalt  }
0x5d: {  	_ =	shalt  }
0x5e: {  	_ =	shalt  }
0x5f: {  	_ =	shalt  }
0x60: {  	_ =	shalt  }
0x61: {  	_ =	shalt  }
0x62: {  	_ =	shalt  }
0x63: {  	_ =	shalt  }
0x64: {  	_ =	shalt  }
0x65: {  	_ =	shalt  }
0x66: {  	_ =	shalt  }
0x67: {  	_ =	shalt  }
0x68: {  	_ =	shalt  }
0x69: {  	_ =	shalt  }
0x6a: {  	_ =	shalt  }
0x6b: {  	_ =	shalt  }
0x6c: {  	_ =	shalt  }
0x6d: {  	_ =	shalt  }
0x6e: {  	_ =	shalt  }
0x6f: {  	_ =	shalt  }
0x70: {  	_ =	shalt  }
0x71: {  	_ =	shalt  }
0x72: {  	_ =	shalt  }
0x73: {  	_ =	shalt  }
0x74: {  	_ =	shalt  }
0x75: {  	_ =	shalt  }
0x76: {  	_ =	shalt  }
0x77: {  	_ =	shalt  }
0x78: {  	_ =	shalt  }
0x79: {  	_ =	shalt  }
0x7a: {  	_ =	shalt  }
0x7b: {  	_ =	shalt  }
0x7c: {  	_ =	shalt  }
0x7d: {  	_ =	shalt  }
0x7e: {  	_ =	shalt  }
0x7f: {  	_ =	shalt  }
0x80: {  	_ =	shalt  }
0x81: {  	_ =	shalt  }
0x82: {  	_ =	shalt  }
0x83: {  	_ =	shalt  }
0x84: {  	_ =	shalt  }
0x85: {  	_ =	shalt  }
0x86: {  	_ =	shalt  }
0x87: {  	_ =	shalt  }
.Lfunc_end0:
.L_simem_size_0:
called_computation_lowered:
.L_overlay_start_0:
0x88: {  	s2 =	sld [smem:$0x3FD9]  }
0x89: {  	s3 =	sld [smem:$0x3FFE];
	_ =	sdelay $0x1  }
0x8a: {  	s1 =	srdreg.scid  }
0x8b: {  	s0 =	sand.u32 $0x1, s1  }
0x8c: {  	s17 =	sshll.u32 s0, $0xA;
	s2 =	sadd.s32 s3, s2  }
0x8d: {  	s2 =	sadd.s32 s2, s17  }
0x8e: {  	[smem:$0x3FC2] =	sst s2  }
0x8f: {  	_ = 	snop  }
0x90: {  	s2 =	sld [smem:$0x3FC8];
	(tm) =	ssettm $0x1  }
0x91: {  	s18 =	sld [smem:$0x3FFB];
	_ =	sdelay $0x3  }
0x92: {  	_ =	strace s18  }
0x93: {  	s3 =	sld [smem:$0x3FFC];
	_ =	sdelay $0x3  }
0x94: {  	_ =	strace s3  }
0x95: {  	s3 =	sld [smem:$0x3FFD];
	_ =	sdelay $0x3  }
0x96: {  	_ =	strace s3  }
0x97: {  	_ =	strace $0x8FFFFFFF  }
0x98: {  	s19 =	sld [smem:$0x3FDB];
	_ =	sdelay $0x1  }
0x99: {  	s4 =	simm.s32 $_scs_section_size  }
0x9a: {  	s5 =	simm.s32 $_size__tile_overlayer_lowered;
	s6 =	simm.s32 $_tile_overlayer_lowered  }
0x9b: {  	s22 =	simm.s32 $0x1BFF;
	s21 =	sshll.u32 s6, $0x1;
	s3 =	sadd.s32 s4, s19  }
0x9c: {  	s7 =	simm.s32 $0x0;
	s20 =	sshll.u32 s5, $0x1;
	s5 =	sadd.s32 s21, s3  }
0x9d: {  	[timem:s7], [sflag:s22] =	dma.local [hbm:s5], s20  }
0x9e: {  	_ =	swait.ge [sflag:s22], s20  }
0x9f: {  	s4 =	ssub.s32 $0x0, s20;
	[sflag:s22] =	ssyncset.done $0x0  }
0xa0: {  	[sflag:s22] =	ssyncadd.s32 s4;
	_ =	sdelay $0x1  }
0xa1: {  	s23 =	simm.s32 $0x1B8B  }
0xa2: {  	_ =	swait.ge [sflag:s23], $0x1  }
0xa3: {  	[sflag:s23] =	ssyncset.done $0x0  }
0xa4: {  	s25 =	simm.s32 $0x1B8E;
	s24 =	sld [smem:$0x3FFE];
	[sflag:s23] =	ssyncadd.s32 $0xFFFFFFFF  }
0xa5: {  	s26 =	simm.s32 $execute0_lowered;
	[smem:$0x3FD2] =	sst s25  }
0xa6: {  	s5 =	sshll.u32 s26, $0x1;
	_ =	strace $0x80000046;
	[dreg:$0x1] =	wrdreg $0xFFFFFFFF  }
0xa7: {  	s28 =	simm.s32 $_size_execute0_lowered;
	s3 =	sadd.s32 s3, s5;
	[dreg:$0x0] =	wrdreg $0x0  }
0xa8: {  	s5 =	sshll.u32 s28, $0x1;
	[dreg:$0x2] =	wrdreg s3  }
0xa9: {  	[dreg:$0x3] =	wrdreg s5  }
0xaa: {  	[dreg:$0x4] =	wrdreg $0xC0  }
0xab: {  	_ =	task [dreg:s7], $0x5FFFF  }
0xac: {  	[dreg:$0x1] =	wrdreg $0xFFFFFFFF  }
0xad: {  	[dreg:$0x0] =	wrdreg $0x60  }
0xae: {  	[dreg:$0x2] =	wrdreg s24  }
0xaf: {  	[dreg:$0x3] =	wrdreg s2  }
0xb0: {  	[dreg:$0x4] =	wrdreg $0x9  }
0xb1: {  	_ =	task.clear_ibuf [dreg:s7], $0x5FFFF;
	_ =	strace $0x90000046  }
0xb2: {  	s29 =	simm.s32 $0x9;
	_ =	strace $0x80000048  }
0xb3: {  	_ =	swait.ge [sflag:s29], $0x1  }
0xb4: {  	[sflag:s29] =	ssyncadd.s32 $0xFFFFFFFF  }
0xb5: {  	_ =	strace $0x90000048  }
0xb6: {  	_ =	sfence  }
0xb7: {  	s30 =	sld [smem:$0x0];
	_ =	sdelay $0x2  }
0xb8: {  	s31 =	sshll.u32 s1, $0xD;
	s1 =	sshrl.u32 s1, $0x2  }
0xb9: {  	s3 =	sand.u32 $0x4000, s31;
	s1 =	sadd.s32 s1, s30  }
0xba: {  	s0 =	sor.u32 s3, s0;
	s1 =	sshll.u32 s1, $0x11  }
0xbb: {  	s0 =	sor.u32 s1, s0  }
0xbc: {  	s0 =	sadd.s32 $0x8F2B, s0  }
0xbd: {  	[sflag:s0] =	ssyncadd.remote.s32 $0x1  }
0xbe: {  	_ =	sfence.sel $0xFFFF  }
0xbf: {  	[dreg:$0x0] =	wrdreg $0xFFFFFFFF;
	(pc) =	sbr.abs _section_cstart, $3  }
0xc0: {  	[dreg:$0x1] =	wrdreg $0xFFFFFFFF  }
0xc1: {  	_ =	task.clear_ibuf [dreg:s7], $0x2FFFF;
	_ =	strace $0x9FFFFFFF  }
0xc2: {  	(tm) =	ssettm $0x7FFFFFFF  }
0xc3: {  	_ =	shalt  }
tec
execute0_lowered:
.L_overlay_start_1:
0x0: {  	(tag) =	ssettag $0x1  }
0x1: {  	s0 =	srdreg.scid  }
0x2: {  	s6 =	sand.u32 $0x1, s0;
	s0 =	stileid.u32  }
0x3: {  	s3 =	sshll.u32 s0, $0x1;
	s4 =	ssub.s32 $0x0, s6  }
0x4: {  	p0 =	sne.s32 s3, s4  }
.Ltmp0:
0x5: {  	_ = 	snop;
	(pc) =	sbr.rel @p0 .LBB2_4-.Ltmp0, $4  }
0x6: {  	_ = 	snop  }
0x7: {  	s9 =	rddreg [dreg:$0x0]  }
0x8: {  	s2 =	rddreg [dreg:$0x1]  }
0x9: {  	s1 =	rddreg [dreg:$0x2];
	_ =	strace $0x80000047  }
0xa: {  	s3 =	sadd.s32 $0x600, s9  }
0xb: {  	s5 =	simm.s32 $0x0;
	s4 =	simm.s32 $0x2;
	s10 =	ssub.s32 $0x2, s6  }
0xc: {  	[tilespmem:s5], [sflag:$0x2] =	stream.linear.gather [hbm4b:s3+s5], $0x80, $0x38;
	[tilespmem:$0xC80] =	vst v63  }
0xd: {  	s6 =	simm.s32 $0x18;
	s11 =	sshrl.u32 s10, $0x1;
	_ =	swait.ge [sflag:s4], $0x80  }
0xe: {  	s7 =	simm.s32 $0x80;
	s10 =	ssub.s32 s10, s11;
	[sflag:s4] =	ssyncset.done $0x0  }
0xf: {  	s8 =	simm.s32 $0x1;
	s10 =	smax.u32 s10, $0x1;
	[sflag:s4] =	ssyncadd.s32 $0xFFFFFF80  }
0x10: {  	[tilespmem:s7], [sflag:$0x1] =	stream.indirect.gather [hbm4b:s2+s6], $0x80, s5, s6, $0xb8;
	[tilespmem:$0xC80] =	vst v63  }
0x11: {  	p0 =	sne.s32 s10, $0x1;
	_ =	swait.ge [sflag:s8], $0xC00  }
.Ltmp1:
0x12: {  	[sflag:s8] =	ssyncset.done $0x0;
	(pc) =	sbr.rel @!p0 .LBB2_3-.Ltmp1, $4  }
0x13: {  	s9 =	sadd.s32 $0x800, s9;
	[sflag:s8] =	ssyncadd.s32 $0xFFFFF400  }
0x14: {  	[hbm4b:s9+s5] =	stream.linear.scatter [tilespmem:s7], [sflag:$0x2], $0xC00, $0x38;
	[tilespmem:$0xC80] =	vst v63  }
0x15: {  	_ =	swait.ge [sflag:s4], $0xC00  }
0x16: {  	s10 =	sadd.s32 $0xFFFFFFFF, s10;
	[sflag:s4] =	ssyncset.done $0x0  }
.LBB2_2:
0x17: {  	p0 =	sne.s32 s10, $0x1;
	s10 =	sadd.s32 $0xFFFFFFFF, s10;
	[sflag:s4] =	ssyncadd.s32 $0xFFFFF400  }
0x18: {  	[tilespmem:s5], [sflag:$0x2] =	stream.linear.gather [hbm4b:s3+s5], $0x80, $0x38;
	[tilespmem:$0xC80] =	vst v63  }
0x19: {  	_ =	swait.ge [sflag:s4], $0x80  }
0x1a: {  	[sflag:s4] =	ssyncset.done $0x0  }
0x1b: {  	[sflag:s4] =	ssyncadd.s32 $0xFFFFFF80  }
0x1c: {  	[tilespmem:s7], [sflag:$0x1] =	stream.indirect.gather [hbm4b:s2+s6], $0x80, s5, s6, $0xb8;
	[tilespmem:$0xC80] =	vst v63  }
0x1d: {  	_ =	swait.ge [sflag:s8], $0xC00  }
.Ltmp2:
0x1e: {  	[sflag:s8] =	ssyncset.done $0x0;
	(pc) =	sbr.rel @p0 .LBB2_2-.Ltmp2, $4  }
0x1f: {  	[sflag:s8] =	ssyncadd.s32 $0xFFFFF400  }
0x20: {  	[hbm4b:s9+s5] =	stream.linear.scatter [tilespmem:s7], [sflag:$0x2], $0xC00, $0x38;
	[tilespmem:$0xC80] =	vst v63  }
0x21: {  	_ =	swait.ge [sflag:s4], $0xC00  }
0x22: {  	[sflag:s4] =	ssyncset.done $0x0  }
.LBB2_3:
0x23: {  	[sflag:s4] =	ssyncadd.s32 $0xFFFFF400  }
.LBB2_4:
0x24: {  	_ =	sfence.sel $0x180000  }
0x25: {  	[bflag:$0x0] =	sbarrier.arrive $0xFFFF  }
0x26: {  	p0 =	sne.s32 s0, $0x0;
	_ =	strace $0x90000047  }
0x27: {  	s0 =	sadd.s32 @!p0 $0x100000, s1;
	[bflag:$0x2] =	sbarrier.arrive $0xFFFF  }
0x28: {  	[sflag:s0] =	ssyncadd.tile.s32 @!p0 $0x1;
	_ =	shalt  }
.Lfunc_end2:
_tile_overlayer_lowered:
.L_overlay_start_2:
0x29: {  	(tag) =	ssettag $0x2  }
0x2a: {  	s0 =	rddreg [dreg:$0x0];
	s2 =	stileid.u32  }
0x2b: {  	s1 =	rddreg [dreg:$0x1];
	p0 =	sne.s32 s2, $0x0  }
0x2c: {  	s3 =	rddreg [dreg:$0x2];
	[bflag:$0x3] =	sbarrier.arrive $0xFFFF;
	s2 =	simm.s32 @!p0 $0x1C02  }
0x2d: {  	[timem:s3], [sflag:s2] =	dma.local @!p0 [hbm:s0], s1  }
0x2e: {  	s0 =	simm.s32 @!p0 $0x2  }
0x2f: {  	_ =	swait.ge @!p0 [sflag:s0], s1  }
0x30: {  	s1 =	ssub.s32 @!p0 $0x0, s1;
	[sflag:s0] =	ssyncset.done @!p0 $0x0  }
0x31: {  	[sflag:s0] =	ssyncadd.s32 @!p0 s1  }
0x32: {  	[bflag:$0x3] =	sbarrier.arrive $0xFFFF  }
0x33: {  	_ =	shalt  }

</sc_bundles>
